<compile_context>
chip_gen: v7x
topology: tpu7x:2x2x1
jax: 0.10.2.dev20260603
libtpu: 0.0.44.dev20260713+nightly
codegen_flags: <defaults>
</compile_context>

<pallas_src>
import functools

import jax
import jax.numpy as jnp
from jax import lax
from jax.experimental import pallas as pl
from jax.experimental.pallas import tpu as pltpu
from jax.experimental.pallas import tpu_sc as plsc

D_MODEL = 128
CHUNK = 128
NBUF = 5


@functools.lru_cache(maxsize=None)
def _make_kernel(b_flat: int, vocab: int):
    info = plsc.get_sparse_core_info()
    nc, ns = info.num_cores, info.num_subcores
    nw = nc * ns
    b_per_w = b_flat // nw
    n_chunks = b_per_w // CHUNK
    n_groups = (n_chunks + NBUF - 1) // NBUF
    mesh = plsc.VectorSubcoreMesh(core_axis_name="c", subcore_axis_name="s")

    @functools.partial(
        pl.kernel,
        mesh=mesh,
        out_type=jax.ShapeDtypeStruct((b_flat, D_MODEL), jnp.float32),
        scratch_types=(
            [pltpu.VMEM((b_per_w,), jnp.int32)]
            + [pltpu.VMEM((CHUNK, D_MODEL), jnp.float32)] * NBUF
            + [pltpu.SemaphoreType.DMA] * (2 * NBUF)
        ),
    )
    def gather_kernel(idx_hbm, table_hbm, out_hbm, idx_v, *rest):
        bufs = rest[:NBUF]
        gsems = rest[NBUF : 2 * NBUF]
        wsems = rest[2 * NBUF :]

        wid = lax.axis_index("s") * nc + lax.axis_index("c")
        base = wid * b_per_w
        pltpu.sync_copy(idx_hbm.at[pl.ds(base, b_per_w)], idx_v)

        def start_gather(j, b_):
            pltpu.async_copy(
                table_hbm.at[idx_v.at[pl.ds(j * CHUNK, CHUNK)]], bufs[b_], gsems[b_]
            )

        def wait_gather(b_):
            pltpu.make_async_copy(
                out_hbm.at[pl.ds(0, CHUNK)], bufs[b_], gsems[b_]
            ).wait()

        def start_wb(j, b_):
            pltpu.async_copy(
                bufs[b_], out_hbm.at[pl.ds(base + j * CHUNK, CHUNK)], wsems[b_]
            )

        def wait_wb(b_):
            pltpu.make_async_copy(
                bufs[b_], out_hbm.at[pl.ds(0, CHUNK)], wsems[b_]
            ).wait()

        for b_ in range(NBUF):
            start_gather(b_, b_)

        def group(g, carry):
            for b_ in range(NBUF):
                j = NBUF * g + b_
                wait_gather(b_)
                start_wb(j, b_)

                pb = (b_ - 1) % NBUF

                def recycle(jprev):
                    @pl.when(jprev + NBUF < n_chunks)
                    def _():
                        wait_wb(pb)
                        start_gather(jprev + NBUF, pb)

                if b_ == 0:
                    @pl.when(g > 0)
                    def _():
                        recycle(j - 1)
                else:
                    recycle(j - 1)

            return carry

        lax.fori_loop(0, n_groups, group, 0)

        for b_ in range(NBUF):
            wait_wb(b_)

    return gather_kernel


def kernel(token_ids, table):
    b, s = token_ids.shape
    vocab, d = table.shape
    b_flat = b * s
    idx = jnp.asarray(token_ids, jnp.int32).T.reshape(b_flat)
    out = _make_kernel(b_flat, vocab)(idx, table)
    return out.reshape(s, b, d).transpose(1, 0, 2)

# --- scband reference (transcript-rebuilt; emitter-appended) ---
"""Pipeline reference for scband-embedding-8048768712866 (READ-ONLY COPY).

The authoritative reference and input builder live on the scoring server;
editing this copy changes nothing except your own understanding.
"""

import jax, jax.numpy as jnp
import numpy as np

VOCAB = 100000
D_MODEL = 128
BATCH = 4096
SEQ = 50

def setup_inputs(seed: int = 0) -> dict:
    key = jax.random.key(seed)
    k_idx, k_tab = jax.random.split(key)
    token_ids = jax.random.randint(k_idx, (BATCH, SEQ), 0, VOCAB, dtype=jnp.int64 if jax.config.read('jax_enable_x64') else jnp.int32)
    table = jax.random.normal(k_tab, (VOCAB, D_MODEL), dtype=jnp.float32)
    return {"token_ids": token_ids, "table": table}

def reference(token_ids, table):
    # Embedding lookup: [B, S] -> [B, S, d_model]
    embeddings = jnp.take(table, token_ids, axis=0)
    return embeddings

if __name__ == "__main__":
    import jax
    _d = setup_inputs()
    print(jax.jit(kernel)(*tuple(_d.values())))

</pallas_src>

<mosaic_0001>
#map = affine_map<(d0, d1) -> (0)>
#map1 = affine_map<(d0, d1) -> (0, 0)>
module attributes {stable_mosaic.version = 14 : i64} {
  func.func @gather_kernel(%arg0: i32, %arg1: i32, %arg2: memref<204800xi32, #tpu.memory_space<hbm>>, %arg3: memref<100000x128xf32, #tpu.memory_space<hbm>>, %arg4: memref<204800x128xf32, #tpu.memory_space<hbm>>, %arg5: memref<6400xi32, #tpu.memory_space<vmem>>, %arg6: memref<128x128xf32, #tpu.memory_space<vmem>>, %arg7: memref<128x128xf32, #tpu.memory_space<vmem>>, %arg8: memref<128x128xf32, #tpu.memory_space<vmem>>, %arg9: memref<128x128xf32, #tpu.memory_space<vmem>>, %arg10: memref<128x128xf32, #tpu.memory_space<vmem>>, %arg11: memref<!tpu.dma_semaphore, #tpu.memory_space<semaphore_mem>>, %arg12: memref<!tpu.dma_semaphore, #tpu.memory_space<semaphore_mem>>, %arg13: memref<!tpu.dma_semaphore, #tpu.memory_space<semaphore_mem>>, %arg14: memref<!tpu.dma_semaphore, #tpu.memory_space<semaphore_mem>>, %arg15: memref<!tpu.dma_semaphore, #tpu.memory_space<semaphore_mem>>, %arg16: memref<!tpu.dma_semaphore, #tpu.memory_space<semaphore_mem>>, %arg17: memref<!tpu.dma_semaphore, #tpu.memory_space<semaphore_mem>>, %arg18: memref<!tpu.dma_semaphore, #tpu.memory_space<semaphore_mem>>, %arg19: memref<!tpu.dma_semaphore, #tpu.memory_space<semaphore_mem>>, %arg20: memref<!tpu.dma_semaphore, #tpu.memory_space<semaphore_mem>>) attributes {dimension_semantics = [#tpu.dimension_semantics<core_parallel>, #tpu.dimension_semantics<subcore_parallel>], iteration_bounds = array<i64: 2, 16>, scalar_prefetch = 0 : i64, scratch_operands = 16 : i64, tpu.core_type = #tpu.core_type<sc_vector_subcore>, window_params = [{transform_indices = #map}, {transform_indices = #map1}, {transform_indices = #map1}]} {
    %mul3A = arith.constant 2 : i32
    %mul3A_0 = arith.muli %arg1, %mul3A : i32
    %add3A = arith.addi %mul3A_0, %arg0 : i32
    %mul3A_1 = arith.constant 6400 : i32
    %mul3A_2 = arith.muli %add3A, %mul3A_1 : i32
    "tpu.region"() ({
      %run_scoped3A = tpu.sem_alloc : memref<!tpu.dma_semaphore, #tpu.memory_space<semaphore_mem>>
      %dma_start3A_61 = tpu.memref_slice %arg2[%mul3A_2] : memref<204800xi32, #tpu.memory_space<hbm>> -> memref<6400xi32, #tpu.memory_space<hbm>>
      %dma_start3A_62 = tpu.memref_slice %arg2[%mul3A_2] : memref<204800xi32, #tpu.memory_space<hbm>> -> memref<6400xi32, #tpu.memory_space<hbm>>
      tpu.enqueue_dma source(%dma_start3A_62 : memref<6400xi32, #tpu.memory_space<hbm>>) target(%arg5 : memref<6400xi32, #tpu.memory_space<vmem>>) target_semaphore(%run_scoped3A : memref<!tpu.dma_semaphore, #tpu.memory_space<semaphore_mem>>)
      %dma_wait3A_63 = tpu.memref_slice %arg2[%mul3A_2] : memref<204800xi32, #tpu.memory_space<hbm>> -> memref<6400xi32, #tpu.memory_space<hbm>>
      %dma_wait3A_64 = tpu.memref_slice %arg2[%mul3A_2] : memref<204800xi32, #tpu.memory_space<hbm>> -> memref<6400xi32, #tpu.memory_space<hbm>>
      tpu.wait_dma2 semaphore(%run_scoped3A : memref<!tpu.dma_semaphore, #tpu.memory_space<semaphore_mem>>) src(%dma_wait3A_64 : memref<6400xi32, #tpu.memory_space<hbm>>) dst(%arg5 : memref<6400xi32, #tpu.memory_space<vmem>>)
      tpu.yield
    }) : () -> ()
    %dma_start3A = arith.constant 0 : i32
    %dma_start3A_3 = tpu.memref_slice %arg5[%dma_start3A] : memref<6400xi32, #tpu.memory_space<vmem>> -> memref<128xi32, #tpu.memory_space<vmem>>
    %dma_start3A_4 = arith.constant 0 : i32
    %dma_start3A_5 = arith.constant 0 : i32
    %dma_start3A_6 = tpu.memref_slice %arg3[%dma_start3A_4, %dma_start3A_5] : memref<100000x128xf32, #tpu.memory_space<hbm>> -> memref<100000x128xf32, #tpu.memory_space<hbm>>
    tpu.enqueue_indirect_dma source(%dma_start3A_6 : memref<100000x128xf32, #tpu.memory_space<hbm>>) target(%arg6 : memref<128x128xf32, #tpu.memory_space<vmem>>) offsets(%dma_start3A_3 : memref<128xi32, #tpu.memory_space<vmem>>) semaphore(%arg11 : memref<!tpu.dma_semaphore, #tpu.memory_space<semaphore_mem>>)
    %dma_start3A_7 = arith.constant 128 : i32
    %dma_start3A_8 = tpu.memref_slice %arg5[%dma_start3A_7] : memref<6400xi32, #tpu.memory_space<vmem>> -> memref<128xi32, #tpu.memory_space<vmem>>
    %dma_start3A_9 = arith.constant 0 : i32
    %dma_start3A_10 = arith.constant 0 : i32
    %dma_start3A_11 = tpu.memref_slice %arg3[%dma_start3A_9, %dma_start3A_10] : memref<100000x128xf32, #tpu.memory_space<hbm>> -> memref<100000x128xf32, #tpu.memory_space<hbm>>
    tpu.enqueue_indirect_dma source(%dma_start3A_11 : memref<100000x128xf32, #tpu.memory_space<hbm>>) target(%arg7 : memref<128x128xf32, #tpu.memory_space<vmem>>) offsets(%dma_start3A_8 : memref<128xi32, #tpu.memory_space<vmem>>) semaphore(%arg12 : memref<!tpu.dma_semaphore, #tpu.memory_space<semaphore_mem>>)
    %dma_start3A_12 = arith.constant 256 : i32
    %dma_start3A_13 = tpu.memref_slice %arg5[%dma_start3A_12] : memref<6400xi32, #tpu.memory_space<vmem>> -> memref<128xi32, #tpu.memory_space<vmem>>
    %dma_start3A_14 = arith.constant 0 : i32
    %dma_start3A_15 = arith.constant 0 : i32
    %dma_start3A_16 = tpu.memref_slice %arg3[%dma_start3A_14, %dma_start3A_15] : memref<100000x128xf32, #tpu.memory_space<hbm>> -> memref<100000x128xf32, #tpu.memory_space<hbm>>
    tpu.enqueue_indirect_dma source(%dma_start3A_16 : memref<100000x128xf32, #tpu.memory_space<hbm>>) target(%arg8 : memref<128x128xf32, #tpu.memory_space<vmem>>) offsets(%dma_start3A_13 : memref<128xi32, #tpu.memory_space<vmem>>) semaphore(%arg13 : memref<!tpu.dma_semaphore, #tpu.memory_space<semaphore_mem>>)
    %dma_start3A_17 = arith.constant 384 : i32
    %dma_start3A_18 = tpu.memref_slice %arg5[%dma_start3A_17] : memref<6400xi32, #tpu.memory_space<vmem>> -> memref<128xi32, #tpu.memory_space<vmem>>
    %dma_start3A_19 = arith.constant 0 : i32
    %dma_start3A_20 = arith.constant 0 : i32
    %dma_start3A_21 = tpu.memref_slice %arg3[%dma_start3A_19, %dma_start3A_20] : memref<100000x128xf32, #tpu.memory_space<hbm>> -> memref<100000x128xf32, #tpu.memory_space<hbm>>
    tpu.enqueue_indirect_dma source(%dma_start3A_21 : memref<100000x128xf32, #tpu.memory_space<hbm>>) target(%arg9 : memref<128x128xf32, #tpu.memory_space<vmem>>) offsets(%dma_start3A_18 : memref<128xi32, #tpu.memory_space<vmem>>) semaphore(%arg14 : memref<!tpu.dma_semaphore, #tpu.memory_space<semaphore_mem>>)
    %dma_start3A_22 = arith.constant 512 : i32
    %dma_start3A_23 = tpu.memref_slice %arg5[%dma_start3A_22] : memref<6400xi32, #tpu.memory_space<vmem>> -> memref<128xi32, #tpu.memory_space<vmem>>
    %dma_start3A_24 = arith.constant 0 : i32
    %dma_start3A_25 = arith.constant 0 : i32
    %dma_start3A_26 = tpu.memref_slice %arg3[%dma_start3A_24, %dma_start3A_25] : memref<100000x128xf32, #tpu.memory_space<hbm>> -> memref<100000x128xf32, #tpu.memory_space<hbm>>
    tpu.enqueue_indirect_dma source(%dma_start3A_26 : memref<100000x128xf32, #tpu.memory_space<hbm>>) target(%arg10 : memref<128x128xf32, #tpu.memory_space<vmem>>) offsets(%dma_start3A_23 : memref<128xi32, #tpu.memory_space<vmem>>) semaphore(%arg15 : memref<!tpu.dma_semaphore, #tpu.memory_space<semaphore_mem>>)
    %scan3A = arith.constant 0 : i32
    %scan3A_27 = arith.constant 0 : i32
    %scan3A_28 = arith.constant 10 : i32
    %scan3A_29 = arith.addi %scan3A_27, %scan3A_28 : i32
    %scan3A_30 = arith.constant 1 : i32
    scf.for %scan3A_61 = %scan3A_27 to %scan3A_29 step %scan3A_30  : i32 {
      %mul3A_62 = arith.constant 5 : i32
      %mul3A_63 = arith.muli %mul3A_62, %scan3A_61 : i32
      %add3A_64 = arith.constant 0 : i32
      %add3A_65 = arith.addi %mul3A_63, %add3A_64 : i32
      %dma_wait3A_66 = arith.constant 0 : i32
      %dma_wait3A_67 = arith.constant 0 : i32
      %dma_wait3A_68 = tpu.memref_slice %arg4[%dma_wait3A_66, %dma_wait3A_67] : memref<204800x128xf32, #tpu.memory_space<hbm>> -> memref<128x128xf32, #tpu.memory_space<hbm>>
      %dma_wait3A_69 = arith.constant 0 : i32
      %dma_wait3A_70 = arith.constant 0 : i32
      %dma_wait3A_71 = tpu.memref_slice %arg4[%dma_wait3A_69, %dma_wait3A_70] : memref<204800x128xf32, #tpu.memory_space<hbm>> -> memref<128x128xf32, #tpu.memory_space<hbm>>
      tpu.wait_dma2 semaphore(%arg11 : memref<!tpu.dma_semaphore, #tpu.memory_space<semaphore_mem>>) src(%dma_wait3A_71 : memref<128x128xf32, #tpu.memory_space<hbm>>) dst(%arg6 : memref<128x128xf32, #tpu.memory_space<vmem>>)
      %mul3A_72 = arith.constant 128 : i32
      %mul3A_73 = arith.muli %add3A_65, %mul3A_72 : i32
      %add3A_74 = arith.addi %mul3A_2, %mul3A_73 : i32
      %dma_start3A_75 = arith.constant 0 : i32
      %dma_start3A_76 = tpu.memref_slice %arg4[%add3A_74, %dma_start3A_75] : memref<204800x128xf32, #tpu.memory_space<hbm>> -> memref<128x128xf32, #tpu.memory_space<hbm>>
      %dma_start3A_77 = arith.constant 0 : i32
      %dma_start3A_78 = tpu.memref_slice %arg4[%add3A_74, %dma_start3A_77] : memref<204800x128xf32, #tpu.memory_space<hbm>> -> memref<128x128xf32, #tpu.memory_space<hbm>>
      tpu.enqueue_dma source(%arg6 : memref<128x128xf32, #tpu.memory_space<vmem>>) target(%dma_start3A_78 : memref<128x128xf32, #tpu.memory_space<hbm>>) target_semaphore(%arg16 : memref<!tpu.dma_semaphore, #tpu.memory_space<semaphore_mem>>)
      %gt3A = arith.constant 0 : i32
      %gt3A_79 = arith.cmpi sgt, %scan3A_61, %gt3A : i32
      %convert_element_type3A = arith.extui %gt3A_79 : i1 to i32
      %cond3A = arith.constant 0 : i32
      %cond3A_80 = arith.cmpi ne, %convert_element_type3A, %cond3A : i32
      scf.if %cond3A_80 {
        %sub3A_183 = arith.constant 1 : i32
        %sub3A_184 = arith.subi %add3A_65, %sub3A_183 : i32
        %add3A_185 = arith.constant 5 : i32
        %add3A_186 = arith.addi %sub3A_184, %add3A_185 : i32
        %lt3A_187 = arith.constant 50 : i32
        %lt3A_188 = arith.cmpi slt, %add3A_186, %lt3A_187 : i32
        %convert_element_type3A_189 = arith.extui %lt3A_188 : i1 to i32
        %cond3A_190 = arith.constant 0 : i32
        %cond3A_191 = arith.cmpi ne, %convert_element_type3A_189, %cond3A_190 : i32
        scf.if %cond3A_191 {
          %dma_wait3A_192 = arith.constant 0 : i32
          %dma_wait3A_193 = arith.constant 0 : i32
          %dma_wait3A_194 = tpu.memref_slice %arg4[%dma_wait3A_192, %dma_wait3A_193] : memref<204800x128xf32, #tpu.memory_space<hbm>> -> memref<128x128xf32, #tpu.memory_space<hbm>>
          %dma_wait3A_195 = arith.constant 0 : i32
          %dma_wait3A_196 = arith.constant 0 : i32
          %dma_wait3A_197 = tpu.memref_slice %arg4[%dma_wait3A_195, %dma_wait3A_196] : memref<204800x128xf32, #tpu.memory_space<hbm>> -> memref<128x128xf32, #tpu.memory_space<hbm>>
          tpu.wait_dma2 semaphore(%arg20 : memref<!tpu.dma_semaphore, #tpu.memory_space<semaphore_mem>>) src(%arg10 : memref<128x128xf32, #tpu.memory_space<vmem>>) dst(%dma_wait3A_197 : memref<128x128xf32, #tpu.memory_space<hbm>>)
          %add3A_198 = arith.constant 5 : i32
          %add3A_199 = arith.addi %sub3A_184, %add3A_198 : i32
          %mul3A_200 = arith.constant 128 : i32
          %mul3A_201 = arith.muli %add3A_199, %mul3A_200 : i32
          %dma_start3A_202 = tpu.memref_slice %arg5[%mul3A_201] : memref<6400xi32, #tpu.memory_space<vmem>> -> memref<128xi32, #tpu.memory_space<vmem>>
          %dma_start3A_203 = arith.constant 0 : i32
          %dma_start3A_204 = arith.constant 0 : i32
          %dma_start3A_205 = tpu.memref_slice %arg3[%dma_start3A_203, %dma_start3A_204] : memref<100000x128xf32, #tpu.memory_space<hbm>> -> memref<100000x128xf32, #tpu.memory_space<hbm>>
          tpu.enqueue_indirect_dma source(%dma_start3A_205 : memref<100000x128xf32, #tpu.memory_space<hbm>>) target(%arg10 : memref<128x128xf32, #tpu.memory_space<vmem>>) offsets(%dma_start3A_202 : memref<128xi32, #tpu.memory_space<vmem>>) semaphore(%arg15 : memref<!tpu.dma_semaphore, #tpu.memory_space<semaphore_mem>>)
        } else {
        }
      } else {
      }
      %mul3A_81 = arith.constant 5 : i32
      %mul3A_82 = arith.muli %mul3A_81, %scan3A_61 : i32
      %add3A_83 = arith.constant 1 : i32
      %add3A_84 = arith.addi %mul3A_82, %add3A_83 : i32
      %dma_wait3A_85 = arith.constant 0 : i32
      %dma_wait3A_86 = arith.constant 0 : i32
      %dma_wait3A_87 = tpu.memref_slice %arg4[%dma_wait3A_85, %dma_wait3A_86] : memref<204800x128xf32, #tpu.memory_space<hbm>> -> memref<128x128xf32, #tpu.memory_space<hbm>>
      %dma_wait3A_88 = arith.constant 0 : i32
      %dma_wait3A_89 = arith.constant 0 : i32
      %dma_wait3A_90 = tpu.memref_slice %arg4[%dma_wait3A_88, %dma_wait3A_89] : memref<204800x128xf32, #tpu.memory_space<hbm>> -> memref<128x128xf32, #tpu.memory_space<hbm>>
      tpu.wait_dma2 semaphore(%arg12 : memref<!tpu.dma_semaphore, #tpu.memory_space<semaphore_mem>>) src(%dma_wait3A_90 : memref<128x128xf32, #tpu.memory_space<hbm>>) dst(%arg7 : memref<128x128xf32, #tpu.memory_space<vmem>>)
      %mul3A_91 = arith.constant 128 : i32
      %mul3A_92 = arith.muli %add3A_84, %mul3A_91 : i32
      %add3A_93 = arith.addi %mul3A_2, %mul3A_92 : i32
      %dma_start3A_94 = arith.constant 0 : i32
      %dma_start3A_95 = tpu.memref_slice %arg4[%add3A_93, %dma_start3A_94] : memref<204800x128xf32, #tpu.memory_space<hbm>> -> memref<128x128xf32, #tpu.memory_space<hbm>>
      %dma_start3A_96 = arith.constant 0 : i32
      %dma_start3A_97 = tpu.memref_slice %arg4[%add3A_93, %dma_start3A_96] : memref<204800x128xf32, #tpu.memory_space<hbm>> -> memref<128x128xf32, #tpu.memory_space<hbm>>
      tpu.enqueue_dma source(%arg7 : memref<128x128xf32, #tpu.memory_space<vmem>>) target(%dma_start3A_97 : memref<128x128xf32, #tpu.memory_space<hbm>>) target_semaphore(%arg17 : memref<!tpu.dma_semaphore, #tpu.memory_space<semaphore_mem>>)
      %sub3A = arith.constant 1 : i32
      %sub3A_98 = arith.subi %add3A_84, %sub3A : i32
      %add3A_99 = arith.constant 5 : i32
      %add3A_100 = arith.addi %sub3A_98, %add3A_99 : i32
      %lt3A = arith.constant 50 : i32
      %lt3A_101 = arith.cmpi slt, %add3A_100, %lt3A : i32
      %convert_element_type3A_102 = arith.extui %lt3A_101 : i1 to i32
      %cond3A_103 = arith.constant 0 : i32
      %cond3A_104 = arith.cmpi ne, %convert_element_type3A_102, %cond3A_103 : i32
      scf.if %cond3A_104 {
        %dma_wait3A_183 = arith.constant 0 : i32
        %dma_wait3A_184 = arith.constant 0 : i32
        %dma_wait3A_185 = tpu.memref_slice %arg4[%dma_wait3A_183, %dma_wait3A_184] : memref<204800x128xf32, #tpu.memory_space<hbm>> -> memref<128x128xf32, #tpu.memory_space<hbm>>
        %dma_wait3A_186 = arith.constant 0 : i32
        %dma_wait3A_187 = arith.constant 0 : i32
        %dma_wait3A_188 = tpu.memref_slice %arg4[%dma_wait3A_186, %dma_wait3A_187] : memref<204800x128xf32, #tpu.memory_space<hbm>> -> memref<128x128xf32, #tpu.memory_space<hbm>>
        tpu.wait_dma2 semaphore(%arg16 : memref<!tpu.dma_semaphore, #tpu.memory_space<semaphore_mem>>) src(%arg6 : memref<128x128xf32, #tpu.memory_space<vmem>>) dst(%dma_wait3A_188 : memref<128x128xf32, #tpu.memory_space<hbm>>)
        %add3A_189 = arith.constant 5 : i32
        %add3A_190 = arith.addi %sub3A_98, %add3A_189 : i32
        %mul3A_191 = arith.constant 128 : i32
        %mul3A_192 = arith.muli %add3A_190, %mul3A_191 : i32
        %dma_start3A_193 = tpu.memref_slice %arg5[%mul3A_192] : memref<6400xi32, #tpu.memory_space<vmem>> -> memref<128xi32, #tpu.memory_space<vmem>>
        %dma_start3A_194 = arith.constant 0 : i32
        %dma_start3A_195 = arith.constant 0 : i32
        %dma_start3A_196 = tpu.memref_slice %arg3[%dma_start3A_194, %dma_start3A_195] : memref<100000x128xf32, #tpu.memory_space<hbm>> -> memref<100000x128xf32, #tpu.memory_space<hbm>>
        tpu.enqueue_indirect_dma source(%dma_start3A_196 : memref<100000x128xf32, #tpu.memory_space<hbm>>) target(%arg6 : memref<128x128xf32, #tpu.memory_space<vmem>>) offsets(%dma_start3A_193 : memref<128xi32, #tpu.memory_space<vmem>>) semaphore(%arg11 : memref<!tpu.dma_semaphore, #tpu.memory_space<semaphore_mem>>)
      } else {
      }
      %mul3A_105 = arith.constant 5 : i32
      %mul3A_106 = arith.muli %mul3A_105, %scan3A_61 : i32
      %add3A_107 = arith.constant 2 : i32
      %add3A_108 = arith.addi %mul3A_106, %add3A_107 : i32
      %dma_wait3A_109 = arith.constant 0 : i32
      %dma_wait3A_110 = arith.constant 0 : i32
      %dma_wait3A_111 = tpu.memref_slice %arg4[%dma_wait3A_109, %dma_wait3A_110] : memref<204800x128xf32, #tpu.memory_space<hbm>> -> memref<128x128xf32, #tpu.memory_space<hbm>>
      %dma_wait3A_112 = arith.constant 0 : i32
      %dma_wait3A_113 = arith.constant 0 : i32
      %dma_wait3A_114 = tpu.memref_slice %arg4[%dma_wait3A_112, %dma_wait3A_113] : memref<204800x128xf32, #tpu.memory_space<hbm>> -> memref<128x128xf32, #tpu.memory_space<hbm>>
      tpu.wait_dma2 semaphore(%arg13 : memref<!tpu.dma_semaphore, #tpu.memory_space<semaphore_mem>>) src(%dma_wait3A_114 : memref<128x128xf32, #tpu.memory_space<hbm>>) dst(%arg8 : memref<128x128xf32, #tpu.memory_space<vmem>>)
      %mul3A_115 = arith.constant 128 : i32
      %mul3A_116 = arith.muli %add3A_108, %mul3A_115 : i32
      %add3A_117 = arith.addi %mul3A_2, %mul3A_116 : i32
      %dma_start3A_118 = arith.constant 0 : i32
      %dma_start3A_119 = tpu.memref_slice %arg4[%add3A_117, %dma_start3A_118] : memref<204800x128xf32, #tpu.memory_space<hbm>> -> memref<128x128xf32, #tpu.memory_space<hbm>>
      %dma_start3A_120 = arith.constant 0 : i32
      %dma_start3A_121 = tpu.memref_slice %arg4[%add3A_117, %dma_start3A_120] : memref<204800x128xf32, #tpu.memory_space<hbm>> -> memref<128x128xf32, #tpu.memory_space<hbm>>
      tpu.enqueue_dma source(%arg8 : memref<128x128xf32, #tpu.memory_space<vmem>>) target(%dma_start3A_121 : memref<128x128xf32, #tpu.memory_space<hbm>>) target_semaphore(%arg18 : memref<!tpu.dma_semaphore, #tpu.memory_space<semaphore_mem>>)
      %sub3A_122 = arith.constant 1 : i32
      %sub3A_123 = arith.subi %add3A_108, %sub3A_122 : i32
      %add3A_124 = arith.constant 5 : i32
      %add3A_125 = arith.addi %sub3A_123, %add3A_124 : i32
      %lt3A_126 = arith.constant 50 : i32
      %lt3A_127 = arith.cmpi slt, %add3A_125, %lt3A_126 : i32
      %convert_element_type3A_128 = arith.extui %lt3A_127 : i1 to i32
      %cond3A_129 = arith.constant 0 : i32
      %cond3A_130 = arith.cmpi ne, %convert_element_type3A_128, %cond3A_129 : i32
      scf.if %cond3A_130 {
        %dma_wait3A_183 = arith.constant 0 : i32
        %dma_wait3A_184 = arith.constant 0 : i32
        %dma_wait3A_185 = tpu.memref_slice %arg4[%dma_wait3A_183, %dma_wait3A_184] : memref<204800x128xf32, #tpu.memory_space<hbm>> -> memref<128x128xf32, #tpu.memory_space<hbm>>
        %dma_wait3A_186 = arith.constant 0 : i32
        %dma_wait3A_187 = arith.constant 0 : i32
        %dma_wait3A_188 = tpu.memref_slice %arg4[%dma_wait3A_186, %dma_wait3A_187] : memref<204800x128xf32, #tpu.memory_space<hbm>> -> memref<128x128xf32, #tpu.memory_space<hbm>>
        tpu.wait_dma2 semaphore(%arg17 : memref<!tpu.dma_semaphore, #tpu.memory_space<semaphore_mem>>) src(%arg7 : memref<128x128xf32, #tpu.memory_space<vmem>>) dst(%dma_wait3A_188 : memref<128x128xf32, #tpu.memory_space<hbm>>)
        %add3A_189 = arith.constant 5 : i32
        %add3A_190 = arith.addi %sub3A_123, %add3A_189 : i32
        %mul3A_191 = arith.constant 128 : i32
        %mul3A_192 = arith.muli %add3A_190, %mul3A_191 : i32
        %dma_start3A_193 = tpu.memref_slice %arg5[%mul3A_192] : memref<6400xi32, #tpu.memory_space<vmem>> -> memref<128xi32, #tpu.memory_space<vmem>>
        %dma_start3A_194 = arith.constant 0 : i32
        %dma_start3A_195 = arith.constant 0 : i32
        %dma_start3A_196 = tpu.memref_slice %arg3[%dma_start3A_194, %dma_start3A_195] : memref<100000x128xf32, #tpu.memory_space<hbm>> -> memref<100000x128xf32, #tpu.memory_space<hbm>>
        tpu.enqueue_indirect_dma source(%dma_start3A_196 : memref<100000x128xf32, #tpu.memory_space<hbm>>) target(%arg7 : memref<128x128xf32, #tpu.memory_space<vmem>>) offsets(%dma_start3A_193 : memref<128xi32, #tpu.memory_space<vmem>>) semaphore(%arg12 : memref<!tpu.dma_semaphore, #tpu.memory_space<semaphore_mem>>)
      } else {
      }
      %mul3A_131 = arith.constant 5 : i32
      %mul3A_132 = arith.muli %mul3A_131, %scan3A_61 : i32
      %add3A_133 = arith.constant 3 : i32
      %add3A_134 = arith.addi %mul3A_132, %add3A_133 : i32
      %dma_wait3A_135 = arith.constant 0 : i32
      %dma_wait3A_136 = arith.constant 0 : i32
      %dma_wait3A_137 = tpu.memref_slice %arg4[%dma_wait3A_135, %dma_wait3A_136] : memref<204800x128xf32, #tpu.memory_space<hbm>> -> memref<128x128xf32, #tpu.memory_space<hbm>>
      %dma_wait3A_138 = arith.constant 0 : i32
      %dma_wait3A_139 = arith.constant 0 : i32
      %dma_wait3A_140 = tpu.memref_slice %arg4[%dma_wait3A_138, %dma_wait3A_139] : memref<204800x128xf32, #tpu.memory_space<hbm>> -> memref<128x128xf32, #tpu.memory_space<hbm>>
      tpu.wait_dma2 semaphore(%arg14 : memref<!tpu.dma_semaphore, #tpu.memory_space<semaphore_mem>>) src(%dma_wait3A_140 : memref<128x128xf32, #tpu.memory_space<hbm>>) dst(%arg9 : memref<128x128xf32, #tpu.memory_space<vmem>>)
      %mul3A_141 = arith.constant 128 : i32
      %mul3A_142 = arith.muli %add3A_134, %mul3A_141 : i32
      %add3A_143 = arith.addi %mul3A_2, %mul3A_142 : i32
      %dma_start3A_144 = arith.constant 0 : i32
      %dma_start3A_145 = tpu.memref_slice %arg4[%add3A_143, %dma_start3A_144] : memref<204800x128xf32, #tpu.memory_space<hbm>> -> memref<128x128xf32, #tpu.memory_space<hbm>>
      %dma_start3A_146 = arith.constant 0 : i32
      %dma_start3A_147 = tpu.memref_slice %arg4[%add3A_143, %dma_start3A_146] : memref<204800x128xf32, #tpu.memory_space<hbm>> -> memref<128x128xf32, #tpu.memory_space<hbm>>
      tpu.enqueue_dma source(%arg9 : memref<128x128xf32, #tpu.memory_space<vmem>>) target(%dma_start3A_147 : memref<128x128xf32, #tpu.memory_space<hbm>>) target_semaphore(%arg19 : memref<!tpu.dma_semaphore, #tpu.memory_space<semaphore_mem>>)
      %sub3A_148 = arith.constant 1 : i32
      %sub3A_149 = arith.subi %add3A_134, %sub3A_148 : i32
      %add3A_150 = arith.constant 5 : i32
      %add3A_151 = arith.addi %sub3A_149, %add3A_150 : i32
      %lt3A_152 = arith.constant 50 : i32
      %lt3A_153 = arith.cmpi slt, %add3A_151, %lt3A_152 : i32
      %convert_element_type3A_154 = arith.extui %lt3A_153 : i1 to i32
      %cond3A_155 = arith.constant 0 : i32
      %cond3A_156 = arith.cmpi ne, %convert_element_type3A_154, %cond3A_155 : i32
      scf.if %cond3A_156 {
        %dma_wait3A_183 = arith.constant 0 : i32
        %dma_wait3A_184 = arith.constant 0 : i32
        %dma_wait3A_185 = tpu.memref_slice %arg4[%dma_wait3A_183, %dma_wait3A_184] : memref<204800x128xf32, #tpu.memory_space<hbm>> -> memref<128x128xf32, #tpu.memory_space<hbm>>
        %dma_wait3A_186 = arith.constant 0 : i32
        %dma_wait3A_187 = arith.constant 0 : i32
        %dma_wait3A_188 = tpu.memref_slice %arg4[%dma_wait3A_186, %dma_wait3A_187] : memref<204800x128xf32, #tpu.memory_space<hbm>> -> memref<128x128xf32, #tpu.memory_space<hbm>>
        tpu.wait_dma2 semaphore(%arg18 : memref<!tpu.dma_semaphore, #tpu.memory_space<semaphore_mem>>) src(%arg8 : memref<128x128xf32, #tpu.memory_space<vmem>>) dst(%dma_wait3A_188 : memref<128x128xf32, #tpu.memory_space<hbm>>)
        %add3A_189 = arith.constant 5 : i32
        %add3A_190 = arith.addi %sub3A_149, %add3A_189 : i32
        %mul3A_191 = arith.constant 128 : i32
        %mul3A_192 = arith.muli %add3A_190, %mul3A_191 : i32
        %dma_start3A_193 = tpu.memref_slice %arg5[%mul3A_192] : memref<6400xi32, #tpu.memory_space<vmem>> -> memref<128xi32, #tpu.memory_space<vmem>>
        %dma_start3A_194 = arith.constant 0 : i32
        %dma_start3A_195 = arith.constant 0 : i32
        %dma_start3A_196 = tpu.memref_slice %arg3[%dma_start3A_194, %dma_start3A_195] : memref<100000x128xf32, #tpu.memory_space<hbm>> -> memref<100000x128xf32, #tpu.memory_space<hbm>>
        tpu.enqueue_indirect_dma source(%dma_start3A_196 : memref<100000x128xf32, #tpu.memory_space<hbm>>) target(%arg8 : memref<128x128xf32, #tpu.memory_space<vmem>>) offsets(%dma_start3A_193 : memref<128xi32, #tpu.memory_space<vmem>>) semaphore(%arg13 : memref<!tpu.dma_semaphore, #tpu.memory_space<semaphore_mem>>)
      } else {
      }
      %mul3A_157 = arith.constant 5 : i32
      %mul3A_158 = arith.muli %mul3A_157, %scan3A_61 : i32
      %add3A_159 = arith.constant 4 : i32
      %add3A_160 = arith.addi %mul3A_158, %add3A_159 : i32
      %dma_wait3A_161 = arith.constant 0 : i32
      %dma_wait3A_162 = arith.constant 0 : i32
      %dma_wait3A_163 = tpu.memref_slice %arg4[%dma_wait3A_161, %dma_wait3A_162] : memref<204800x128xf32, #tpu.memory_space<hbm>> -> memref<128x128xf32, #tpu.memory_space<hbm>>
      %dma_wait3A_164 = arith.constant 0 : i32
      %dma_wait3A_165 = arith.constant 0 : i32
      %dma_wait3A_166 = tpu.memref_slice %arg4[%dma_wait3A_164, %dma_wait3A_165] : memref<204800x128xf32, #tpu.memory_space<hbm>> -> memref<128x128xf32, #tpu.memory_space<hbm>>
      tpu.wait_dma2 semaphore(%arg15 : memref<!tpu.dma_semaphore, #tpu.memory_space<semaphore_mem>>) src(%dma_wait3A_166 : memref<128x128xf32, #tpu.memory_space<hbm>>) dst(%arg10 : memref<128x128xf32, #tpu.memory_space<vmem>>)
      %mul3A_167 = arith.constant 128 : i32
      %mul3A_168 = arith.muli %add3A_160, %mul3A_167 : i32
      %add3A_169 = arith.addi %mul3A_2, %mul3A_168 : i32
      %dma_start3A_170 = arith.constant 0 : i32
      %dma_start3A_171 = tpu.memref_slice %arg4[%add3A_169, %dma_start3A_170] : memref<204800x128xf32, #tpu.memory_space<hbm>> -> memref<128x128xf32, #tpu.memory_space<hbm>>
      %dma_start3A_172 = arith.constant 0 : i32
      %dma_start3A_173 = tpu.memref_slice %arg4[%add3A_169, %dma_start3A_172] : memref<204800x128xf32, #tpu.memory_space<hbm>> -> memref<128x128xf32, #tpu.memory_space<hbm>>
      tpu.enqueue_dma source(%arg10 : memref<128x128xf32, #tpu.memory_space<vmem>>) target(%dma_start3A_173 : memref<128x128xf32, #tpu.memory_space<hbm>>) target_semaphore(%arg20 : memref<!tpu.dma_semaphore, #tpu.memory_space<semaphore_mem>>)
      %sub3A_174 = arith.constant 1 : i32
      %sub3A_175 = arith.subi %add3A_160, %sub3A_174 : i32
      %add3A_176 = arith.constant 5 : i32
      %add3A_177 = arith.addi %sub3A_175, %add3A_176 : i32
      %lt3A_178 = arith.constant 50 : i32
      %lt3A_179 = arith.cmpi slt, %add3A_177, %lt3A_178 : i32
      %convert_element_type3A_180 = arith.extui %lt3A_179 : i1 to i32
      %cond3A_181 = arith.constant 0 : i32
      %cond3A_182 = arith.cmpi ne, %convert_element_type3A_180, %cond3A_181 : i32
      scf.if %cond3A_182 {
        %dma_wait3A_183 = arith.constant 0 : i32
        %dma_wait3A_184 = arith.constant 0 : i32
        %dma_wait3A_185 = tpu.memref_slice %arg4[%dma_wait3A_183, %dma_wait3A_184] : memref<204800x128xf32, #tpu.memory_space<hbm>> -> memref<128x128xf32, #tpu.memory_space<hbm>>
        %dma_wait3A_186 = arith.constant 0 : i32
        %dma_wait3A_187 = arith.constant 0 : i32
        %dma_wait3A_188 = tpu.memref_slice %arg4[%dma_wait3A_186, %dma_wait3A_187] : memref<204800x128xf32, #tpu.memory_space<hbm>> -> memref<128x128xf32, #tpu.memory_space<hbm>>
        tpu.wait_dma2 semaphore(%arg19 : memref<!tpu.dma_semaphore, #tpu.memory_space<semaphore_mem>>) src(%arg9 : memref<128x128xf32, #tpu.memory_space<vmem>>) dst(%dma_wait3A_188 : memref<128x128xf32, #tpu.memory_space<hbm>>)
        %add3A_189 = arith.constant 5 : i32
        %add3A_190 = arith.addi %sub3A_175, %add3A_189 : i32
        %mul3A_191 = arith.constant 128 : i32
        %mul3A_192 = arith.muli %add3A_190, %mul3A_191 : i32
        %dma_start3A_193 = tpu.memref_slice %arg5[%mul3A_192] : memref<6400xi32, #tpu.memory_space<vmem>> -> memref<128xi32, #tpu.memory_space<vmem>>
        %dma_start3A_194 = arith.constant 0 : i32
        %dma_start3A_195 = arith.constant 0 : i32
        %dma_start3A_196 = tpu.memref_slice %arg3[%dma_start3A_194, %dma_start3A_195] : memref<100000x128xf32, #tpu.memory_space<hbm>> -> memref<100000x128xf32, #tpu.memory_space<hbm>>
        tpu.enqueue_indirect_dma source(%dma_start3A_196 : memref<100000x128xf32, #tpu.memory_space<hbm>>) target(%arg9 : memref<128x128xf32, #tpu.memory_space<vmem>>) offsets(%dma_start3A_193 : memref<128xi32, #tpu.memory_space<vmem>>) semaphore(%arg14 : memref<!tpu.dma_semaphore, #tpu.memory_space<semaphore_mem>>)
      } else {
      }
    }
    %scan3A_31 = arith.constant 10 : i32
    %dma_wait3A = arith.constant 0 : i32
    %dma_wait3A_32 = arith.constant 0 : i32
    %dma_wait3A_33 = tpu.memref_slice %arg4[%dma_wait3A, %dma_wait3A_32] : memref<204800x128xf32, #tpu.memory_space<hbm>> -> memref<128x128xf32, #tpu.memory_space<hbm>>
    %dma_wait3A_34 = arith.constant 0 : i32
    %dma_wait3A_35 = arith.constant 0 : i32
    %dma_wait3A_36 = tpu.memref_slice %arg4[%dma_wait3A_34, %dma_wait3A_35] : memref<204800x128xf32, #tpu.memory_space<hbm>> -> memref<128x128xf32, #tpu.memory_space<hbm>>
    tpu.wait_dma2 semaphore(%arg16 : memref<!tpu.dma_semaphore, #tpu.memory_space<semaphore_mem>>) src(%arg6 : memref<128x128xf32, #tpu.memory_space<vmem>>) dst(%dma_wait3A_36 : memref<128x128xf32, #tpu.memory_space<hbm>>)
    %dma_wait3A_37 = arith.constant 0 : i32
    %dma_wait3A_38 = arith.constant 0 : i32
    %dma_wait3A_39 = tpu.memref_slice %arg4[%dma_wait3A_37, %dma_wait3A_38] : memref<204800x128xf32, #tpu.memory_space<hbm>> -> memref<128x128xf32, #tpu.memory_space<hbm>>
    %dma_wait3A_40 = arith.constant 0 : i32
    %dma_wait3A_41 = arith.constant 0 : i32
    %dma_wait3A_42 = tpu.memref_slice %arg4[%dma_wait3A_40, %dma_wait3A_41] : memref<204800x128xf32, #tpu.memory_space<hbm>> -> memref<128x128xf32, #tpu.memory_space<hbm>>
    tpu.wait_dma2 semaphore(%arg17 : memref<!tpu.dma_semaphore, #tpu.memory_space<semaphore_mem>>) src(%arg7 : memref<128x128xf32, #tpu.memory_space<vmem>>) dst(%dma_wait3A_42 : memref<128x128xf32, #tpu.memory_space<hbm>>)
    %dma_wait3A_43 = arith.constant 0 : i32
    %dma_wait3A_44 = arith.constant 0 : i32
    %dma_wait3A_45 = tpu.memref_slice %arg4[%dma_wait3A_43, %dma_wait3A_44] : memref<204800x128xf32, #tpu.memory_space<hbm>> -> memref<128x128xf32, #tpu.memory_space<hbm>>
    %dma_wait3A_46 = arith.constant 0 : i32
    %dma_wait3A_47 = arith.constant 0 : i32
    %dma_wait3A_48 = tpu.memref_slice %arg4[%dma_wait3A_46, %dma_wait3A_47] : memref<204800x128xf32, #tpu.memory_space<hbm>> -> memref<128x128xf32, #tpu.memory_space<hbm>>
    tpu.wait_dma2 semaphore(%arg18 : memref<!tpu.dma_semaphore, #tpu.memory_space<semaphore_mem>>) src(%arg8 : memref<128x128xf32, #tpu.memory_space<vmem>>) dst(%dma_wait3A_48 : memref<128x128xf32, #tpu.memory_space<hbm>>)
    %dma_wait3A_49 = arith.constant 0 : i32
    %dma_wait3A_50 = arith.constant 0 : i32
    %dma_wait3A_51 = tpu.memref_slice %arg4[%dma_wait3A_49, %dma_wait3A_50] : memref<204800x128xf32, #tpu.memory_space<hbm>> -> memref<128x128xf32, #tpu.memory_space<hbm>>
    %dma_wait3A_52 = arith.constant 0 : i32
    %dma_wait3A_53 = arith.constant 0 : i32
    %dma_wait3A_54 = tpu.memref_slice %arg4[%dma_wait3A_52, %dma_wait3A_53] : memref<204800x128xf32, #tpu.memory_space<hbm>> -> memref<128x128xf32, #tpu.memory_space<hbm>>
    tpu.wait_dma2 semaphore(%arg19 : memref<!tpu.dma_semaphore, #tpu.memory_space<semaphore_mem>>) src(%arg9 : memref<128x128xf32, #tpu.memory_space<vmem>>) dst(%dma_wait3A_54 : memref<128x128xf32, #tpu.memory_space<hbm>>)
    %dma_wait3A_55 = arith.constant 0 : i32
    %dma_wait3A_56 = arith.constant 0 : i32
    %dma_wait3A_57 = tpu.memref_slice %arg4[%dma_wait3A_55, %dma_wait3A_56] : memref<204800x128xf32, #tpu.memory_space<hbm>> -> memref<128x128xf32, #tpu.memory_space<hbm>>
    %dma_wait3A_58 = arith.constant 0 : i32
    %dma_wait3A_59 = arith.constant 0 : i32
    %dma_wait3A_60 = tpu.memref_slice %arg4[%dma_wait3A_58, %dma_wait3A_59] : memref<204800x128xf32, #tpu.memory_space<hbm>> -> memref<128x128xf32, #tpu.memory_space<hbm>>
    tpu.wait_dma2 semaphore(%arg20 : memref<!tpu.dma_semaphore, #tpu.memory_space<semaphore_mem>>) src(%arg10 : memref<128x128xf32, #tpu.memory_space<vmem>>) dst(%dma_wait3A_60 : memref<128x128xf32, #tpu.memory_space<hbm>>)
    return
  }
}

</mosaic_0001>

<sc_bundles>
// kernel: kernel.3.cloned.1.call-start
scs
__scs_entry_jumppad:
0x0: {  	(pc) =	sbr.rel $0x88, $3  }
0x1: {  	(tag) =	ssettag $0x0;
	lr =	simm.s32 $0x1  }
0x2: {  	[smem:$0x3F9F] =	sst lr;
	_ =	strace $0xD0000000  }
0x3: {  	_ = 	snop  }
0x4: {  	_ = 	snop  }
0x5: {  	_ = 	snop  }
0x6: {  	_ = 	snop  }
0x7: {  	_ = 	snop  }
__scs_overlays_trampoline_lowered:
0x8: {  	[smem:$0x3FAE] =	sst s0  }
0x9: {  	[smem:$0x3FAF] =	sst s1  }
0xa: {  	[smem:$0x3FB0] =	sst s2  }
0xb: {  	[smem:$0x3FB1] =	sst s3  }
0xc: {  	[smem:$0x3FB2] =	sst s4  }
0xd: {  	[smem:$0x3FB3] =	sst s5  }
0xe: {  	[smem:$0x3FB4] =	sst s6  }
0xf: {  	[smem:$0x3FB5] =	sst s7  }
0x10: {  	[smem:$0x3FB6] =	sst s8  }
0x11: {  	[smem:$0x3FB7] =	sst s9;
	s0 =	simm.s32 @!p0 $0x0  }
0x12: {  	s1 =	sld [smem:$0x3F9D];
	s0 =	simm.s32 @p0 $0x1  }
0x13: {  	[smem:$0x3FB8] =	sst s0;
	s0 =	simm.s32 @!p1 $0x0  }
0x14: {  	s2 =	sld [smem:$0x3F9C];
	s0 =	simm.s32 @p1 $0x1  }
0x15: {  	[smem:$0x3FB9] =	sst s0;
	s0 =	simm.s32 @!p2 $0x0  }
0x16: {  	s3 =	sld [smem:$0x3FDB];
	s0 =	simm.s32 @p2 $0x1  }
0x17: {  	s4 =	simm.s32 $0x1BF5;
	[smem:$0x3FBB] =	sst s0  }
0x18: {  	s0 =	sld [smem:$0x3F9E];
	_ =	swait.ge [sflag:s4], $0x0  }
0x19: {  	s7 =	sld [smem:$0x3F9F]  }
0x1a: {  	s8 =	sadd.s32 $0xFFFFE003, lr  }
0x1b: {  	s9 =	sadd.s32 $0xFFFFFEF7, lr;
	s5 =	simm.s32 $0xFFFFFFFF;
	p2 =	slt.u32 s8, $0xFFFFF086  }
0x1c: {  	p1 =	slt.u32 s9, $0xF7A;
	s5 =	simm.s32 @!p2 $0x0  }
0x1d: {  	s5 =	simm.s32 @p1 $0x1;
	p0 =	seq.s32 s7, s2  }
0x1e: {  	s7 =	smul.u32 @!p0 $0xF7A, s2;
	p2 =	seq.s32 @!p0 s5, $0x0  }
0x1f: {  	s9 =	smul.u32 $0xF7A, s1;
	s8 =	simm.s32 @!p0 $0x1BF5;
	p2 =	por !p2, p0  }
0x20: {  	[sflag:s8] =	ssyncset.s32 @!p0 $0xFFFFF086;
	s6 =	sadd.s32 @!p0 s3, s7;
	s7 =	simm.s32 @!p0 $0x108  }
0x21: {  	s3 =	sadd.s32 s3, s9;
	s6 =	sadd.s32 @!p0 $0x88, s6;
	s7 =	simm.s32 @p2 $0x1082  }
0x22: {  	[simem:s7], [sflag:s8] =	dma.local @!p0 [hbm:s6], $0xF7A  }
0x23: {  	s9 =	sor.u32 $0xD0000000, s2;
	s6 =	simm.s32 $0x108;
	_ =	swait.ge @!p0 [sflag:s8], $0x0  }
0x24: {  	s3 =	sadd.s32 $0x88, s3;
	s6 =	simm.s32 @!p1 $0x1082;
	[sflag:s4] =	ssyncset.s32 $0xFFFFF086  }
0x25: {  	[simem:s6], [sflag:s4] =	dma.local [hbm:s3], $0xF7A  }
0x26: {  	[smem:$0x3F9F] =	sst s1;
	(tag) =	ssettag s2;
	_ =	strace s9  }
0x27: {  	s1 =	sld [smem:$0x3FAF]  }
0x28: {  	s2 =	sld [smem:$0x3FB0]  }
0x29: {  	s4 =	sld [smem:$0x3FB2]  }
0x2a: {  	p0 =	seq.s32 s5, $0x0;
	s5 =	sld [smem:$0x3FB3]  }
0x2b: {  	s6 =	sld [smem:$0x3FB4]  }
0x2c: {  	s7 =	sld [smem:$0x3FB5]  }
0x2d: {  	s3 =	simm.s32 $0x108;
	s8 =	sld [smem:$0x3FB6]  }
0x2e: {  	s3 =	simm.s32 @!p0 $0x1082;
	s9 =	sld [smem:$0x3FB7]  }
0x2f: {  	lr =	sadd.s32 s0, s3;
	s0 =	sld [smem:$0x3FAE]  }
0x30: {  	s3 =	sld [smem:$0x3FB1]  }
0x31: {  	[smem:$0x3FBA] =	sst s10  }
0x32: {  	s10 =	sld [smem:$0x3FB8];
	_ =	sdelay $0x3  }
0x33: {  	p0 =	seq.s32 s10, $0x1;
	s10 =	sld [smem:$0x3FBA];
	_ =	sdelay $0x3  }
0x34: {  	[smem:$0x3FBA] =	sst s10  }
0x35: {  	s10 =	sld [smem:$0x3FB9];
	_ =	sdelay $0x3  }
0x36: {  	p1 =	seq.s32 s10, $0x1;
	s10 =	sld [smem:$0x3FBA];
	_ =	sdelay $0x3  }
0x37: {  	[smem:$0x3FBA] =	sst s10  }
0x38: {  	s10 =	sld [smem:$0x3FBB]  }
0x39: {  	_ = 	snop;
	(pc) =	sbr.ind lr, $3  }
0x3a: {  	_ = 	snop  }
0x3b: {  	_ = 	snop  }
0x3c: {  	p2 =	seq.s32 s10, $0x1;
	s10 =	sld [smem:$0x3FBA]  }
0x3d: {  	_ =	shalt  }
0x3e: {  	_ =	shalt  }
0x3f: {  	_ =	shalt  }
0x40: {  	_ =	shalt  }
0x41: {  	_ =	shalt  }
0x42: {  	_ =	shalt  }
0x43: {  	_ =	shalt  }
0x44: {  	_ =	shalt  }
0x45: {  	_ =	shalt  }
0x46: {  	_ =	shalt  }
0x47: {  	_ =	shalt  }
0x48: {  	_ =	shalt  }
0x49: {  	_ =	shalt  }
0x4a: {  	_ =	shalt  }
0x4b: {  	_ =	shalt  }
0x4c: {  	_ =	shalt  }
0x4d: {  	_ =	shalt  }
0x4e: {  	_ =	shalt  }
0x4f: {  	_ =	shalt  }
0x50: {  	_ =	shalt  }
0x51: {  	_ =	shalt  }
0x52: {  	_ =	shalt  }
0x53: {  	_ =	shalt  }
0x54: {  	_ =	shalt  }
0x55: {  	_ =	shalt  }
0x56: {  	_ =	shalt  }
0x57: {  	_ =	shalt  }
0x58: {  	_ =	shalt  }
0x59: {  	_ =	shalt  }
0x5a: {  	_ =	shalt  }
0x5b: {  	_ =	shalt  }
0x5c: {  	_ =	shalt  }
0x5d: {  	_ =	shalt  }
0x5e: {  	_ =	shalt  }
0x5f: {  	_ =	shalt  }
0x60: {  	_ =	shalt  }
0x61: {  	_ =	shalt  }
0x62: {  	_ =	shalt  }
0x63: {  	_ =	shalt  }
0x64: {  	_ =	shalt  }
0x65: {  	_ =	shalt  }
0x66: {  	_ =	shalt  }
0x67: {  	_ =	shalt  }
0x68: {  	_ =	shalt  }
0x69: {  	_ =	shalt  }
0x6a: {  	_ =	shalt  }
0x6b: {  	_ =	shalt  }
0x6c: {  	_ =	shalt  }
0x6d: {  	_ =	shalt  }
0x6e: {  	_ =	shalt  }
0x6f: {  	_ =	shalt  }
0x70: {  	_ =	shalt  }
0x71: {  	_ =	shalt  }
0x72: {  	_ =	shalt  }
0x73: {  	_ =	shalt  }
0x74: {  	_ =	shalt  }
0x75: {  	_ =	shalt  }
0x76: {  	_ =	shalt  }
0x77: {  	_ =	shalt  }
0x78: {  	_ =	shalt  }
0x79: {  	_ =	shalt  }
0x7a: {  	_ =	shalt  }
0x7b: {  	_ =	shalt  }
0x7c: {  	_ =	shalt  }
0x7d: {  	_ =	shalt  }
0x7e: {  	_ =	shalt  }
0x7f: {  	_ =	shalt  }
0x80: {  	_ =	shalt  }
0x81: {  	_ =	shalt  }
0x82: {  	_ =	shalt  }
0x83: {  	_ =	shalt  }
0x84: {  	_ =	shalt  }
0x85: {  	_ =	shalt  }
0x86: {  	_ =	shalt  }
0x87: {  	_ =	shalt  }
.Lfunc_end0:
.L_simem_size_0:
called_computation_lowered:
.L_overlay_start_0:
0x88: {  	s2 =	sld [smem:$0x3FD9]  }
0x89: {  	s3 =	sld [smem:$0x3FFE];
	_ =	sdelay $0x1  }
0x8a: {  	s1 =	srdreg.scid  }
0x8b: {  	s0 =	sand.u32 $0x1, s1  }
0x8c: {  	s17 =	sshll.u32 s0, $0xA;
	s2 =	sadd.s32 s3, s2  }
0x8d: {  	s2 =	sadd.s32 s2, s17  }
0x8e: {  	[smem:$0x3FC6] =	sst s2  }
0x8f: {  	_ = 	snop  }
0x90: {  	s2 =	sld [smem:$0x3FC8]  }
0x91: {  	s18 =	sld [smem:$0x3FD0];
	(tm) =	ssettm $0x1  }
0x92: {  	s4 =	sld [smem:$0x3FFB];
	_ =	sdelay $0x3  }
0x93: {  	_ =	strace s4  }
0x94: {  	s4 =	sld [smem:$0x3FFC];
	_ =	sdelay $0x3  }
0x95: {  	_ =	strace s4  }
0x96: {  	s4 =	sld [smem:$0x3FFD];
	_ =	sdelay $0x3  }
0x97: {  	_ =	strace s4  }
0x98: {  	_ =	strace $0x8FFFFFFF  }
0x99: {  	s19 =	sld [smem:$0x3FDB];
	_ =	sdelay $0x1  }
0x9a: {  	s5 =	simm.s32 $_scs_section_size  }
0x9b: {  	s6 =	simm.s32 $_size__tile_overlayer_lowered;
	s7 =	simm.s32 $_tile_overlayer_lowered  }
0x9c: {  	s22 =	simm.s32 $0x1BFF;
	s21 =	sshll.u32 s7, $0x1;
	s4 =	sadd.s32 s5, s19  }
0x9d: {  	s8 =	simm.s32 $0x0;
	s20 =	sshll.u32 s6, $0x1;
	s6 =	sadd.s32 s21, s4  }
0x9e: {  	[timem:s8], [sflag:s22] =	dma.local [hbm:s6], s20  }
0x9f: {  	_ =	swait.ge [sflag:s22], s20  }
0xa0: {  	s5 =	ssub.s32 $0x0, s20;
	[sflag:s22] =	ssyncset.done $0x0  }
0xa1: {  	[sflag:s22] =	ssyncadd.s32 s5;
	_ =	sdelay $0x1  }
0xa2: {  	s23 =	simm.s32 $0x1B8B  }
0xa3: {  	_ =	swait.ge [sflag:s23], $0x1  }
0xa4: {  	[sflag:s23] =	ssyncset.done $0x0  }
0xa5: {  	s25 =	simm.s32 $0x1B8E;
	s24 =	sld [smem:$0x3FFE];
	[sflag:s23] =	ssyncadd.s32 $0xFFFFFFFF  }
0xa6: {  	s26 =	simm.s32 $execute0_lowered;
	[smem:$0x3FD2] =	sst s25  }
0xa7: {  	s6 =	sshll.u32 s26, $0x1;
	_ =	strace $0x80000046;
	[dreg:$0x1] =	wrdreg $0xFFFFFFFF  }
0xa8: {  	s28 =	simm.s32 $_size_execute0_lowered;
	s4 =	sadd.s32 s4, s6;
	[dreg:$0x0] =	wrdreg $0x0  }
0xa9: {  	s6 =	sshll.u32 s28, $0x1;
	[dreg:$0x2] =	wrdreg s4  }
0xaa: {  	[dreg:$0x3] =	wrdreg s6  }
0xab: {  	[dreg:$0x4] =	wrdreg $0xC0  }
0xac: {  	_ =	task [dreg:s8], $0x5FFFF  }
0xad: {  	[dreg:$0x1] =	wrdreg $0xFFFFFFFF  }
0xae: {  	[dreg:$0x0] =	wrdreg $0x60  }
0xaf: {  	[dreg:$0x2] =	wrdreg s24  }
0xb0: {  	[dreg:$0x3] =	wrdreg s2  }
0xb1: {  	[dreg:$0x4] =	wrdreg s18  }
0xb2: {  	[dreg:$0x5] =	wrdreg $0x9  }
0xb3: {  	_ =	task.clear_ibuf [dreg:s8], $0x6FFFF;
	_ =	strace $0x90000046  }
0xb4: {  	s29 =	simm.s32 $0x9;
	_ =	strace $0x80000048  }
0xb5: {  	_ =	swait.ge [sflag:s29], $0x1  }
0xb6: {  	[sflag:s29] =	ssyncadd.s32 $0xFFFFFFFF  }
0xb7: {  	_ =	strace $0x90000048  }
0xb8: {  	_ =	sfence  }
0xb9: {  	s30 =	sld [smem:$0x0];
	_ =	sdelay $0x2  }
0xba: {  	s31 =	sshll.u32 s1, $0xD;
	s1 =	sshrl.u32 s1, $0x2  }
0xbb: {  	s3 =	sand.u32 $0x4000, s31;
	s1 =	sadd.s32 s1, s30  }
0xbc: {  	s0 =	sor.u32 s3, s0;
	s1 =	sshll.u32 s1, $0x11  }
0xbd: {  	s0 =	sor.u32 s1, s0  }
0xbe: {  	s0 =	sadd.s32 $0x8F2B, s0  }
0xbf: {  	[sflag:s0] =	ssyncadd.remote.s32 $0x1  }
0xc0: {  	_ =	sfence.sel $0xFFFF  }
0xc1: {  	[dreg:$0x0] =	wrdreg $0xFFFFFFFF;
	(pc) =	sbr.abs _section_cstart, $3  }
0xc2: {  	[dreg:$0x1] =	wrdreg $0xFFFFFFFF  }
0xc3: {  	_ =	task.clear_ibuf [dreg:s8], $0x2FFFF;
	_ =	strace $0x9FFFFFFF  }
0xc4: {  	(tm) =	ssettm $0x7FFFFFFF  }
0xc5: {  	_ =	shalt  }
tec
execute0_lowered:
.L_overlay_start_1:
0x0: {  	(tag) =	ssettag $0x1  }
0x1: {  	s4 =	rddreg [dreg:$0x0]  }
0x2: {  	s2 =	rddreg [dreg:$0x1]  }
0x3: {  	s1 =	srdreg.scid;
	s0 =	stileid.u32  }
0x4: {  	s6 =	rddreg [dreg:$0x2];
	s3 =	simm.s32 $0x0;
	s11 =	simm.s32 $0x1900  }
0x5: {  	s12 =	simm.s32 $0x5900;
	s14 =	simm.s32 $0x9900;
	s16 =	simm.s32 $0xD900  }
0x6: {  	s18 =	simm.s32 $0x11900;
	s19 =	simm.s32 $0x1;
	s20 =	simm.s32 $0x2  }
0x7: {  	s21 =	simm.s32 $0x4;
	s22 =	simm.s32 $0x5;
	s23 =	simm.s32 $0x6  }
0x8: {  	s24 =	simm.s32 $0x7;
	s25 =	simm.s32 $0x8;
	s28 =	simm.s32 $0xA  }
0x9: {  	s5 =	sand.u32 $0x1, s1;
	s7 =	sshll.u32 s0, $0x1;
	s10 =	smul.u32 $0x32000, s0  }
0xa: {  	s29 =	simm.s32 $0x0;
	s7 =	sor.u32 s5, s7;
	s30 =	smul.u32 $0x19000, s5  }
0xb: {  	[smem:$0x7FF] =	sst s3;
	s9 =	ssub.s32 $0x2, s5;
	s8 =	smul.u32 $0x1900, s7  }
0xc: {  	_ =	strace $0x80000047;
	s7 =	smul.u32 $0x19000, s7;
	s26 =	sshrl.u32 s9, $0x1  }
.Ltmp0:
0xd: {  	s31 =	sadd.s32 s10, s6;
	s8 =	sshrl.u32 s8, $0x3;
	(pc) =	sbr.rel .LBB2_1-.Ltmp0, $4  }
0xe: {  	s10 =	simm.s32 $0x80;
	s7 =	sadd.s32 s6, s7;
	s4 =	sadd.s32 s8, s4  }
0xf: {  	s8 =	ssub.s32 s9, s26;
	s6 =	sadd.s32 $0x17800, s7;
	s7 =	sadd.s32 $0x18800, s7  }
0x10: {  	s9 =	simm.s32 $0xB;
	s5 =	smax.u32 s8, $0x1;
	s8 =	sadd.s32 s30, s31  }
0x11: {  	s26 =	simm.s32 $0x9;
	s4 =	sadd.s32 $0x400, s4;
	s8 =	sadd.s32 $0x2000, s8  }
.LBB2_4:
0x12: {  	_ =	swait.ge [sflag:s22], $0x4000  }
0x13: {  	[sflag:s22] =	ssyncset.done $0x0  }
0x14: {  	[sflag:s22] =	ssyncadd.s32 $0xFFFFC000  }
0x15: {  	[hbm4b:s7+s3] =	stream.linear.scatter [tilespmem:s18], [sflag:$0xA], $0x4000, $0x38;
	[tilespmem:$0x15900] =	vst v63  }
0x16: {  	_ =	swait.ge [sflag:s23], $0x4000  }
0x17: {  	[sflag:s23] =	ssyncset.done $0x0  }
0x18: {  	[sflag:s23] =	ssyncadd.s32 $0xFFFFC000  }
0x19: {  	_ =	swait.ge [sflag:s24], $0x4000  }
0x1a: {  	[sflag:s24] =	ssyncset.done $0x0  }
0x1b: {  	[sflag:s24] =	ssyncadd.s32 $0xFFFFC000  }
0x1c: {  	_ =	swait.ge [sflag:s25], $0x4000  }
0x1d: {  	[sflag:s25] =	ssyncset.done $0x0  }
0x1e: {  	s29 =	sadd.s32 $0x1, s29;
	[sflag:s25] =	ssyncadd.s32 $0xFFFFC000  }
0x1f: {  	p0 =	sne.s32 s29, s5;
	_ =	swait.ge [sflag:s26], $0x4000  }
.Ltmp1:
0x20: {  	[sflag:s26] =	ssyncset.done $0x0;
	(pc) =	sbr.rel @!p0 .LBB2_5-.Ltmp1, $4  }
0x21: {  	[sflag:s26] =	ssyncadd.s32 $0xFFFFC000  }
0x22: {  	_ =	swait.ge [sflag:s28], $0x4000  }
0x23: {  	[sflag:s28] =	ssyncset.done $0x0  }
0x24: {  	[sflag:s28] =	ssyncadd.s32 $0xFFFFC000  }
.LBB2_1:
0x25: {  	[tilespmem:s3], [sflag:$0xB] =	stream.linear.gather [hbm4b:s4+s3], $0x1900, $0x38;
	[tilespmem:$0x15900] =	vst v63  }
0x26: {  	_ =	swait.ge [sflag:s9], $0x1900  }
0x27: {  	[sflag:s9] =	ssyncset.done $0x0  }
0x28: {  	[sflag:s9] =	ssyncadd.s32 $0xFFFFE700  }
0x29: {  	[tilespmem:s11], [sflag:$0x1] =	stream.indirect.gather [hbm4b:s2+s10], $0x80, s3, s10, $0xb8;
	[tilespmem:$0x15900] =	vst v63  }
0x2a: {  	_ = 	snop  }
0x2b: {  	[tilespmem:s12], [sflag:$0x2] =	stream.indirect.gather [hbm4b:s2+s10], $0x80, s10, s10, $0xb8;
	[tilespmem:$0x15900] =	vst v63  }
0x2c: {  	s0 =	simm.s32 $0x100  }
0x2d: {  	[tilespmem:s14], [sflag:$0x3] =	stream.indirect.gather [hbm4b:s2+s10], $0x80, s0, s10, $0xb8;
	[tilespmem:$0x15900] =	vst v63  }
0x2e: {  	s15 =	simm.s32 $0x180  }
0x2f: {  	[tilespmem:s16], [sflag:$0x4] =	stream.indirect.gather [hbm4b:s2+s10], $0x80, s15, s10, $0xb8;
	[tilespmem:$0x15900] =	vst v63  }
0x30: {  	s17 =	simm.s32 $0x200;
	s30 =	smov.u32 s8;
	s31 =	simm.s32 $0x0  }
0x31: {  	[tilespmem:s18], [sflag:$0x5] =	stream.indirect.gather [hbm4b:s2+s10], $0x80, s17, s10, $0xb8;
	[tilespmem:$0x15900] =	vst v63  }
.LBB2_2:
0x32: {  	_ =	swait.ge [sflag:s19], $0x4000  }
0x33: {  	[sflag:s19] =	ssyncset.done $0x0  }
0x34: {  	s1 =	sadd.s32 $0xFFFFE000, s30;
	p0 =	seq.s32 s31, $0x0;
	[sflag:s19] =	ssyncadd.s32 $0xFFFFC000  }
0x35: {  	[hbm4b:s1+s3] =	stream.linear.scatter [tilespmem:s11], [sflag:$0x6], $0x4000, $0x38;
	[tilespmem:$0x15900] =	vst v63  }
0x36: {  	s1 =	simm.s32 @!p0 $0xA  }
0x37: {  	_ =	swait.ge @!p0 [sflag:s1], $0x4000  }
0x38: {  	[sflag:s1] =	ssyncset.done @!p0 $0x0  }
0x39: {  	[sflag:s1] =	ssyncadd.s32 @!p0 $0xFFFFC000;
	s1 =	sshra.s32 @!p0 s31, $0x2  }
0x3a: {  	s0 =	simm.s32 @!p0 $0x80;
	s13 =	simm.s32 @!p0 $0x11900;
	s1 =	sadd.s32 @!p0 $0x200, s1  }
0x3b: {  	[tilespmem:s13], [sflag:$0x5] =	stream.indirect.gather @!p0 [hbm4b:s2+s0], $0x80, s1, s0, $0xb8;
	[tilespmem:$0x15900] =	vst v63  }
0x3c: {  	_ =	swait.ge [sflag:s20], $0x4000  }
0x3d: {  	p0 =	seq.s32 s31, $0x5A00;
	[sflag:s20] =	ssyncset.done $0x0  }
0x3e: {  	s15 =	sadd.s32 $0xFFFFE800, s30;
	s0 =	simm.s32 @p0 $0x3;
	[sflag:s20] =	ssyncadd.s32 $0xFFFFC000  }
0x3f: {  	[hbm4b:s15+s3] =	stream.linear.scatter [tilespmem:s12], [sflag:$0x7], $0x4000, $0x38;
	[tilespmem:$0x15900] =	vst v63  }
0x40: {  	_ =	swait.ge @p0 [sflag:s0], $0x4000  }
0x41: {  	[sflag:s0] =	ssyncset.done @p0 $0x0  }
0x42: {  	s1 =	simm.s32 @p0 $0x9900;
	[sflag:s0] =	ssyncadd.s32 @p0 $0xFFFFC000;
	s0 =	simm.s32 @p0 $0x0  }
0x43: {  	[hbm4b:s6+s0] =	stream.linear.scatter @p0 [tilespmem:s1], [sflag:$0x8], $0x4000, $0x38;
	[tilespmem:$0x15900] =	vst v63  }
0x44: {  	s0 =	simm.s32 @!p0 $0x6  }
0x45: {  	_ =	swait.ge @!p0 [sflag:s0], $0x4000  }
0x46: {  	[sflag:s0] =	ssyncset.done @!p0 $0x0  }
0x47: {  	[sflag:s0] =	ssyncadd.s32 @!p0 $0xFFFFC000;
	s0 =	sshra.s32 @!p0 s31, $0x2  }
0x48: {  	s13 =	simm.s32 @!p0 $0x80;
	s15 =	simm.s32 @!p0 $0x1900;
	s1 =	sadd.s32 @!p0 $0x280, s0  }
0x49: {  	[tilespmem:s15], [sflag:$0x1] =	stream.indirect.gather @!p0 [hbm4b:s2+s13], $0x80, s1, s13, $0xb8;
	[tilespmem:$0x15900] =	vst v63  }
0x4a: {  	s1 =	simm.s32 @!p0 $0x3  }
0x4b: {  	_ =	swait.ge @!p0 [sflag:s1], $0x4000  }
0x4c: {  	s17 =	simm.s32 @!p0 $0x9900;
	[sflag:s1] =	ssyncset.done @!p0 $0x0  }
0x4d: {  	s15 =	simm.s32 @!p0 $0x0;
	[sflag:s1] =	ssyncadd.s32 @!p0 $0xFFFFC000;
	s1 =	sadd.s32 @!p0 $0xFFFFF000, s30  }
0x4e: {  	[hbm4b:s1+s15] =	stream.linear.scatter @!p0 [tilespmem:s17], [sflag:$0x8], $0x4000, $0x38;
	[tilespmem:$0x15900] =	vst v63  }
0x4f: {  	s1 =	simm.s32 @!p0 $0x7  }
0x50: {  	_ =	swait.ge @!p0 [sflag:s1], $0x4000  }
0x51: {  	[sflag:s1] =	ssyncset.done @!p0 $0x0  }
0x52: {  	s0 =	sadd.s32 @!p0 $0x300, s0;
	[sflag:s1] =	ssyncadd.s32 @!p0 $0xFFFFC000;
	s1 =	simm.s32 @!p0 $0x5900  }
0x53: {  	[tilespmem:s1], [sflag:$0x2] =	stream.indirect.gather @!p0 [hbm4b:s2+s13], $0x80, s0, s13, $0xb8;
	[tilespmem:$0x15900] =	vst v63  }
.Ltmp2:
0x54: {  	_ = 	snop;
	(pc) =	sbr.rel @p0 .LBB2_4-.Ltmp2, $4  }
0x55: {  	_ =	swait.ge [sflag:s21], $0x4000  }
0x56: {  	[sflag:s21] =	ssyncset.done $0x0  }
0x57: {  	s17 =	sadd.s32 $0xFFFFF800, s30;
	[sflag:s21] =	ssyncadd.s32 $0xFFFFC000  }
0x58: {  	[hbm4b:s17+s3] =	stream.linear.scatter [tilespmem:s16], [sflag:$0x9], $0x4000, $0x38;
	[tilespmem:$0x15900] =	vst v63  }
0x59: {  	_ =	swait.ge [sflag:s25], $0x4000  }
0x5a: {  	s0 =	sshra.s32 s31, $0x2;
	[sflag:s25] =	ssyncset.done $0x0  }
0x5b: {  	s1 =	sadd.s32 $0x380, s0;
	[sflag:s25] =	ssyncadd.s32 $0xFFFFC000  }
0x5c: {  	[tilespmem:s14], [sflag:$0x3] =	stream.indirect.gather [hbm4b:s2+s10], $0x80, s1, s10, $0xb8;
	[tilespmem:$0x15900] =	vst v63  }
0x5d: {  	_ =	swait.ge [sflag:s22], $0x4000  }
0x5e: {  	[sflag:s22] =	ssyncset.done $0x0  }
0x5f: {  	[sflag:s22] =	ssyncadd.s32 $0xFFFFC000  }
0x60: {  	[hbm4b:s30+s3] =	stream.linear.scatter [tilespmem:s18], [sflag:$0xA], $0x4000, $0x38;
	[tilespmem:$0x15900] =	vst v63  }
.Ltmp3:
0x61: {  	_ = 	snop;
	(pc) =	sbr.rel .LBB2_2-.Ltmp3, $4  }
0x62: {  	_ =	swait.ge [sflag:s26], $0x4000  }
0x63: {  	s31 =	sadd.s32 $0xA00, s31;
	[sflag:s26] =	ssyncset.done $0x0  }
0x64: {  	s0 =	sadd.s32 $0x400, s0;
	s30 =	sadd.s32 $0x2800, s30;
	[sflag:s26] =	ssyncadd.s32 $0xFFFFC000  }
0x65: {  	[tilespmem:s16], [sflag:$0x4] =	stream.indirect.gather [hbm4b:s2+s10], $0x80, s0, s10, $0xb8;
	[tilespmem:$0x15900] =	vst v63  }
.LBB2_5:
0x66: {  	_ =	sfence.sel $0x180000  }
0x67: {  	[bflag:$0x0] =	sbarrier.arrive $0xFFFF  }
0x68: {  	_ =	strace $0x90000047  }
0x69: {  	s0 =	stileid.u32;
	[bflag:$0x2] =	sbarrier.arrive $0xFFFF  }
0x6a: {  	p0 =	sne.s32 s0, $0x0;
	s0 =	rddreg [dreg:$0x3]  }
0x6b: {  	s0 =	sadd.s32 @!p0 $0x100000, s0  }
0x6c: {  	[sflag:s0] =	ssyncadd.tile.s32 @!p0 $0x1;
	_ =	shalt  }
.Lfunc_end2:
_tile_overlayer_lowered:
.L_overlay_start_2:
0x6d: {  	(tag) =	ssettag $0x2  }
0x6e: {  	s0 =	rddreg [dreg:$0x0];
	s2 =	stileid.u32  }
0x6f: {  	s1 =	rddreg [dreg:$0x1];
	p0 =	sne.s32 s2, $0x0  }
0x70: {  	s3 =	rddreg [dreg:$0x2];
	[bflag:$0x3] =	sbarrier.arrive $0xFFFF;
	s2 =	simm.s32 @!p0 $0x1C0B  }
0x71: {  	[timem:s3], [sflag:s2] =	dma.local @!p0 [hbm:s0], s1  }
0x72: {  	s0 =	simm.s32 @!p0 $0xB  }
0x73: {  	_ =	swait.ge @!p0 [sflag:s0], s1  }
0x74: {  	s1 =	ssub.s32 @!p0 $0x0, s1;
	[sflag:s0] =	ssyncset.done @!p0 $0x0  }
0x75: {  	[sflag:s0] =	ssyncadd.s32 @!p0 s1  }
0x76: {  	[bflag:$0x3] =	sbarrier.arrive $0xFFFF  }
0x77: {  	_ =	shalt  }

</sc_bundles>
